<compile_context>
chip_gen: v7x
topology: tpu7x:2x2x1
jax: 0.10.2.dev20260603
libtpu: 0.0.44.dev20260713+nightly
codegen_flags: <defaults>
</compile_context>

<pallas_src>
import functools

import jax
import jax.numpy as jnp
from jax import lax
from jax.experimental import pallas as pl
from jax.experimental.pallas import tpu as pltpu
from jax.experimental.pallas import tpu_sc as plsc

_NUM_HEADS = 32
_HEAD_SIZE = 128
_NUM_KV_HEADS = 8
_NUM_REQS = 8
_KV_DIM = _NUM_KV_HEADS * _HEAD_SIZE
_LANES = 16
_TC_BLK = 2048


def _gather_body(num_slots, hs_hbm, qsl_hbm, sm_hbm, g_out, idx_out,
                 qsl_v, sm_v, last_v, slots_v, idx_src_v, idx_dst_v,
                 g3, sem):
    c = lax.axis_index("c")
    s = lax.axis_index("s")

    @pl.when(jnp.logical_and(c == 0, s == 0))
    def _():
        pltpu.sync_copy(qsl_hbm, qsl_v)
        pltpu.sync_copy(sm_hbm, sm_v)
        lanes = lax.iota(jnp.int32, _LANES)
        req = lax.bitwise_and(lanes, _NUM_REQS - 1)
        ends = plsc.load_gather(qsl_v, [req + 1])
        last = ends - 1
        slots = plsc.load_gather(sm_v, [last])
        last_v[...] = last
        slots_v[...] = slots
        win = req
        for j in range(_NUM_REQS):
            win = jnp.where(slots == slots[j], j, win)
        last_win = plsc.load_gather(last_v, [win])
        idx_src_v[...] = last_win
        pltpu.async_copy(hs_hbm.at[idx_src_v], g3.reshape(_LANES, 2 * _KV_DIM),
                         sem).wait()
        sp = plsc.load_gather(slots_v, [lax.shift_right_logical(lanes, 1)])
        idx_dst_v[...] = sp + num_slots * lax.bitwise_and(lanes, 1)
        pltpu.sync_copy(g3.at[pl.ds(0, _LANES)], g_out)
        pltpu.sync_copy(idx_dst_v, idx_out)


def _make_gather(total_tokens, num_slots):
    mesh = plsc.VectorSubcoreMesh(core_axis_name="c", subcore_axis_name="s",
                                  num_cores=1)
    return pl.kernel(
        functools.partial(_gather_body, num_slots),
        out_type=(
            jax.ShapeDtypeStruct((_LANES, _NUM_KV_HEADS, _HEAD_SIZE),
                                 jnp.float32),
            jax.ShapeDtypeStruct((_LANES,), jnp.int32),
        ),
        mesh=mesh,
        compiler_params=pltpu.CompilerParams(
            needs_layout_passes=False,
            use_tc_tiling_on_sc=True,
            skip_device_barrier=True,
            disable_bounds_checks=True,
            disable_semaphore_checks=True,
        ),
        scratch_types=[
            pltpu.VMEM((_LANES,), jnp.int32),
            pltpu.VMEM((total_tokens,), jnp.int32),
            pltpu.VMEM((_LANES,), jnp.int32),
            pltpu.VMEM((_LANES,), jnp.int32),
            pltpu.VMEM((_LANES,), jnp.int32),
            pltpu.VMEM((_LANES,), jnp.int32),
            pltpu.VMEM((2 * _LANES, _NUM_KV_HEADS, _HEAD_SIZE), jnp.float32),
            pltpu.SemaphoreType.DMA,
        ],
    )


def _copy_block(in_ref, out_ref):
    out_ref[...] = in_ref[...]


def _tc_copy(cache3):
    total_rows = cache3.shape[0]
    return pl.pallas_call(
        _copy_block,
        grid=(total_rows // _TC_BLK,),
        in_specs=[pl.BlockSpec((_TC_BLK, _NUM_KV_HEADS, _HEAD_SIZE),
                               lambda i: (i, 0, 0))],
        out_specs=pl.BlockSpec((_TC_BLK, _NUM_KV_HEADS, _HEAD_SIZE),
                               lambda i: (i, 0, 0)),
        out_shape=jax.ShapeDtypeStruct(cache3.shape, cache3.dtype),
        compiler_params=pltpu.CompilerParams(
            dimension_semantics=("arbitrary",),
        ),
    )(cache3)


def _patch_body(idx_ref, g_ref, cache_in_ref, out_ref):
    del idx_ref, cache_in_ref
    i = pl.program_id(0)
    out_ref[...] = g_ref[pl.ds(i, 1)]


def _tc_patch(idx_dst, g_rows, cache_tmp):
    grid_spec = pltpu.PrefetchScalarGridSpec(
        num_scalar_prefetch=1,
        grid=(_LANES,),
        in_specs=[
            pl.BlockSpec((_LANES, _NUM_KV_HEADS, _HEAD_SIZE),
                         lambda i, idx: (0, 0, 0)),
            pl.BlockSpec((1, _NUM_KV_HEADS, _HEAD_SIZE),
                         lambda i, idx: (idx[i], 0, 0)),
        ],
        out_specs=pl.BlockSpec((1, _NUM_KV_HEADS, _HEAD_SIZE),
                               lambda i, idx: (idx[i], 0, 0)),
    )
    return pl.pallas_call(
        _patch_body,
        grid_spec=grid_spec,
        out_shape=jax.ShapeDtypeStruct(cache_tmp.shape, cache_tmp.dtype),
        input_output_aliases={2: 0},
        compiler_params=pltpu.CompilerParams(
            dimension_semantics=("arbitrary",),
        ),
    )(idx_dst, g_rows, cache_tmp)


def kernel(hidden_states, kv_cache, query_start_loc, slot_mapping):
    total_tokens = hidden_states.shape[0]
    num_slots = kv_cache.shape[1]
    qslp = jnp.pad(query_start_loc, (0, _LANES - query_start_loc.shape[0]))
    cache3 = kv_cache.reshape(2 * num_slots, _NUM_KV_HEADS, _HEAD_SIZE)
    g_rows, idx_dst = _make_gather(total_tokens, num_slots)(
        hidden_states, qslp, slot_mapping)
    new_cache = _tc_patch(idx_dst, g_rows, _tc_copy(cache3))
    output = jnp.zeros((_NUM_REQS, _NUM_HEADS * _HEAD_SIZE),
                       dtype=hidden_states.dtype)
    return new_cache.reshape(kv_cache.shape), output

# --- scband reference (transcript-rebuilt; emitter-appended) ---
"""Pipeline reference for scband-cache-only-attention-layer-78924319031347 (READ-ONLY COPY).

The authoritative reference and input builder live on the scoring server;
editing this copy changes nothing except your own understanding.
"""

import jax, jax.numpy as jnp
import numpy as np

NUM_HEADS = 32
HEAD_SIZE = 128
NUM_KV_HEADS = 8
NUM_REQS = 8
TOTAL_TOKENS = 8192
NUM_SLOTS = 16384  # 1024 blocks * block_size 16
KV_DIM = NUM_KV_HEADS * HEAD_SIZE  # 1024


def setup_inputs(seed: int = 0) -> dict:
    key = jax.random.key(seed)
    k1, k2, k3 = jax.random.split(key, 3)
    hidden_states = jax.random.normal(k1, (TOTAL_TOKENS, 2 * KV_DIM), dtype=jnp.float32)
    kv_cache = jnp.zeros((2, NUM_SLOTS, NUM_KV_HEADS, HEAD_SIZE), dtype=jnp.float32)
    qsl = jnp.sort(jax.random.randint(k2, (NUM_REQS + 1,), 0, TOTAL_TOKENS, dtype=jnp.int32))
    qsl = qsl.at[0].set(0).at[-1].set(TOTAL_TOKENS)
    # ensure every per-request end offset is >= 1 so last_token_indices are valid
    qsl = qsl.at[1:].set(jnp.maximum(qsl[1:], 1))
    slot_mapping = jax.random.randint(k3, (TOTAL_TOKENS,), 0, NUM_SLOTS, dtype=jnp.int32)
    return {
        "hidden_states": hidden_states,
        "kv_cache": kv_cache,
        "query_start_loc": qsl,
        "slot_mapping": slot_mapping,
    }


def reference(hidden_states, kv_cache, query_start_loc, slot_mapping):
    # CacheOnlyAttentionLayer.forward: gather the last token of each request,
    # split the hidden states into key/value heads, and scatter-write them into
    # the paged KV cache at positions given by slot_mapping. No attention math
    # is performed (cache-only); the attention output is zeros.
    last_token_indices = query_start_loc[1:NUM_REQS + 1] - 1  # [num_reqs]
    hs = jnp.take(hidden_states, last_token_indices, axis=0)  # [num_reqs, 2*KV_DIM]
    slots = jnp.take(slot_mapping, last_token_indices, axis=0)  # [num_reqs]
    # reshape_hidden_states_for_kv_cache: first half -> key, second half -> value
    key_new = hs[:, :KV_DIM].reshape(-1, NUM_KV_HEADS, HEAD_SIZE)
    value_new = hs[:, KV_DIM:].reshape(-1, NUM_KV_HEADS, HEAD_SIZE)
    key_cache = kv_cache[0].at[slots].set(key_new)
    value_cache = kv_cache[1].at[slots].set(value_new)
    new_cache = jnp.stack([key_cache, value_cache], axis=0)
    # cache-only attention: output buffer stays zero
    output = jnp.zeros((NUM_REQS, NUM_HEADS * HEAD_SIZE), dtype=hidden_states.dtype)
    return new_cache, output

if __name__ == "__main__":
    import jax
    _d = setup_inputs()
    print(jax.jit(kernel)(*tuple(_d.values())))

</pallas_src>

<mosaic_0001>
#map = affine_map<(d0, d1) -> (0, 0)>
#map1 = affine_map<(d0, d1) -> (0)>
#map2 = affine_map<(d0, d1) -> (0, 0, 0)>
module attributes {stable_mosaic.version = 14 : i64} {
  func.func @_gather_body(%arg0: i32, %arg1: i32, %arg2: memref<8192x2048xf32, #tpu.memory_space<hbm>>, %arg3: memref<16xi32, #tpu.memory_space<hbm>>, %arg4: memref<8192xi32, #tpu.memory_space<hbm>>, %arg5: memref<16x8x128xf32, #tpu.memory_space<hbm>>, %arg6: memref<16xi32, #tpu.memory_space<hbm>>, %arg7: memref<16xi32, #tpu.memory_space<vmem>>, %arg8: memref<8192xi32, #tpu.memory_space<vmem>>, %arg9: memref<16xi32, #tpu.memory_space<vmem>>, %arg10: memref<16xi32, #tpu.memory_space<vmem>>, %arg11: memref<16xi32, #tpu.memory_space<vmem>>, %arg12: memref<16xi32, #tpu.memory_space<vmem>>, %arg13: memref<32x8x128xf32, #tpu.memory_space<vmem>>, %arg14: memref<!tpu.dma_semaphore, #tpu.memory_space<semaphore_mem>>) attributes {dimension_semantics = [#tpu.dimension_semantics<core_parallel>, #tpu.dimension_semantics<subcore_parallel>], iteration_bounds = array<i64: 1, 16>, scalar_prefetch = 0 : i64, scratch_operands = 8 : i64, tpu.core_type = #tpu.core_type<sc_vector_subcore>, window_params = [{transform_indices = #map}, {transform_indices = #map1}, {transform_indices = #map1}, {transform_indices = #map2}, {transform_indices = #map1}]} {
    %eq3A = arith.constant 0 : i32
    %eq3A_0 = arith.cmpi eq, %arg0, %eq3A : i32
    %eq3A_1 = arith.constant 0 : i32
    %eq3A_2 = arith.cmpi eq, %arg1, %eq3A_1 : i32
    %and3A = arith.andi %eq3A_0, %eq3A_2 : i1
    %convert_element_type3A = arith.extui %and3A : i1 to i32
    %cond3A = arith.constant 0 : i32
    %cond3A_3 = arith.cmpi ne, %convert_element_type3A, %cond3A : i32
    scf.if %cond3A_3 {
      "tpu.region"() ({
        %run_scoped3A = tpu.sem_alloc : memref<!tpu.dma_semaphore, #tpu.memory_space<semaphore_mem>>
        tpu.enqueue_dma source(%arg3 : memref<16xi32, #tpu.memory_space<hbm>>) target(%arg7 : memref<16xi32, #tpu.memory_space<vmem>>) target_semaphore(%run_scoped3A : memref<!tpu.dma_semaphore, #tpu.memory_space<semaphore_mem>>)
        tpu.wait_dma2 semaphore(%run_scoped3A : memref<!tpu.dma_semaphore, #tpu.memory_space<semaphore_mem>>) src(%arg3 : memref<16xi32, #tpu.memory_space<hbm>>) dst(%arg7 : memref<16xi32, #tpu.memory_space<vmem>>)
        tpu.yield
      }) : () -> ()
      "tpu.region"() ({
        %run_scoped3A = tpu.sem_alloc : memref<!tpu.dma_semaphore, #tpu.memory_space<semaphore_mem>>
        tpu.enqueue_dma source(%arg4 : memref<8192xi32, #tpu.memory_space<hbm>>) target(%arg8 : memref<8192xi32, #tpu.memory_space<vmem>>) target_semaphore(%run_scoped3A : memref<!tpu.dma_semaphore, #tpu.memory_space<semaphore_mem>>)
        tpu.wait_dma2 semaphore(%run_scoped3A : memref<!tpu.dma_semaphore, #tpu.memory_space<semaphore_mem>>) src(%arg4 : memref<8192xi32, #tpu.memory_space<hbm>>) dst(%arg8 : memref<8192xi32, #tpu.memory_space<vmem>>)
        tpu.yield
      }) : () -> ()
      %iota3A = tpu.iota {dimensions = array<i32: 0>} : vector<16xi32>
      %and3A_4 = arith.constant 7 : i32
      %and3A_5 = vector.broadcast %and3A_4 : i32 to vector<16xi32>
      %and3A_6 = arith.andi %iota3A, %and3A_5 : vector<16xi32>
      %add3A = arith.constant 1 : i32
      %add3A_7 = vector.broadcast %add3A : i32 to vector<16xi32>
      %add3A_8 = arith.addi %and3A_6, %add3A_7 : vector<16xi32>
      %gather3A = tpu.vector_load_idx %arg7[%add3A_8] : memref<16xi32, #tpu.memory_space<vmem>>[vector<16xi32>], vector<16xi32>,
      %sub3A = arith.constant 1 : i32
      %sub3A_9 = vector.broadcast %sub3A : i32 to vector<16xi32>
      %sub3A_10 = arith.subi %gather3A, %sub3A_9 : vector<16xi32>
      %gather3A_11 = tpu.vector_load_idx %arg8[%sub3A_10] : memref<8192xi32, #tpu.memory_space<vmem>>[vector<16xi32>], vector<16xi32>,
      %swap3A = arith.constant 0 : index
      %swap3A_12 = tpu.vector_load %arg9[%swap3A] {strides = array<i32>} : memref<16xi32, #tpu.memory_space<vmem>>, vector<16xi32>,
      tpu.vector_store %arg9[%swap3A], %sub3A_10 {strides = array<i32>} : memref<16xi32, #tpu.memory_space<vmem>>, vector<16xi32>,
      %swap3A_13 = arith.constant 0 : index
      %swap3A_14 = tpu.vector_load %arg10[%swap3A_13] {strides = array<i32>} : memref<16xi32, #tpu.memory_space<vmem>>, vector<16xi32>,
      tpu.vector_store %arg10[%swap3A_13], %gather3A_11 {strides = array<i32>} : memref<16xi32, #tpu.memory_space<vmem>>, vector<16xi32>,
      %slice3A = vector.extract_strided_slice %gather3A_11 {offsets = [0], sizes = [1], strides = [1]} : vector<16xi32> to vector<1xi32>
      %squeeze3A = vector.extract %slice3A[0] : i32 from vector<1xi32>
      %eq3A_15 = vector.broadcast %squeeze3A : i32 to vector<16xi32>
      %eq3A_16 = arith.cmpi eq, %gather3A_11, %eq3A_15 : vector<16xi32>
      %jit3A = arith.constant 0 : i32
      %broadcast_in_dim3A = vector.broadcast %jit3A : i32 to vector<16xi32>
      %select_n3A = arith.select %eq3A_16, %broadcast_in_dim3A, %and3A_6 : vector<16xi1>, vector<16xi32>
      %slice3A_17 = vector.extract_strided_slice %gather3A_11 {offsets = [1], sizes = [1], strides = [1]} : vector<16xi32> to vector<1xi32>
      %squeeze3A_18 = vector.extract %slice3A_17[0] : i32 from vector<1xi32>
      %eq3A_19 = vector.broadcast %squeeze3A_18 : i32 to vector<16xi32>
      %eq3A_20 = arith.cmpi eq, %gather3A_11, %eq3A_19 : vector<16xi32>
      %jit3A_21 = arith.constant 1 : i32
      %broadcast_in_dim3A_22 = vector.broadcast %jit3A_21 : i32 to vector<16xi32>
      %select_n3A_23 = arith.select %eq3A_20, %broadcast_in_dim3A_22, %select_n3A : vector<16xi1>, vector<16xi32>
      %slice3A_24 = vector.extract_strided_slice %gather3A_11 {offsets = [2], sizes = [1], strides = [1]} : vector<16xi32> to vector<1xi32>
      %squeeze3A_25 = vector.extract %slice3A_24[0] : i32 from vector<1xi32>
      %eq3A_26 = vector.broadcast %squeeze3A_25 : i32 to vector<16xi32>
      %eq3A_27 = arith.cmpi eq, %gather3A_11, %eq3A_26 : vector<16xi32>
      %jit3A_28 = arith.constant 2 : i32
      %broadcast_in_dim3A_29 = vector.broadcast %jit3A_28 : i32 to vector<16xi32>
      %select_n3A_30 = arith.select %eq3A_27, %broadcast_in_dim3A_29, %select_n3A_23 : vector<16xi1>, vector<16xi32>
      %slice3A_31 = vector.extract_strided_slice %gather3A_11 {offsets = [3], sizes = [1], strides = [1]} : vector<16xi32> to vector<1xi32>
      %squeeze3A_32 = vector.extract %slice3A_31[0] : i32 from vector<1xi32>
      %eq3A_33 = vector.broadcast %squeeze3A_32 : i32 to vector<16xi32>
      %eq3A_34 = arith.cmpi eq, %gather3A_11, %eq3A_33 : vector<16xi32>
      %jit3A_35 = arith.constant 3 : i32
      %broadcast_in_dim3A_36 = vector.broadcast %jit3A_35 : i32 to vector<16xi32>
      %select_n3A_37 = arith.select %eq3A_34, %broadcast_in_dim3A_36, %select_n3A_30 : vector<16xi1>, vector<16xi32>
      %slice3A_38 = vector.extract_strided_slice %gather3A_11 {offsets = [4], sizes = [1], strides = [1]} : vector<16xi32> to vector<1xi32>
      %squeeze3A_39 = vector.extract %slice3A_38[0] : i32 from vector<1xi32>
      %eq3A_40 = vector.broadcast %squeeze3A_39 : i32 to vector<16xi32>
      %eq3A_41 = arith.cmpi eq, %gather3A_11, %eq3A_40 : vector<16xi32>
      %jit3A_42 = arith.constant 4 : i32
      %broadcast_in_dim3A_43 = vector.broadcast %jit3A_42 : i32 to vector<16xi32>
      %select_n3A_44 = arith.select %eq3A_41, %broadcast_in_dim3A_43, %select_n3A_37 : vector<16xi1>, vector<16xi32>
      %slice3A_45 = vector.extract_strided_slice %gather3A_11 {offsets = [5], sizes = [1], strides = [1]} : vector<16xi32> to vector<1xi32>
      %squeeze3A_46 = vector.extract %slice3A_45[0] : i32 from vector<1xi32>
      %eq3A_47 = vector.broadcast %squeeze3A_46 : i32 to vector<16xi32>
      %eq3A_48 = arith.cmpi eq, %gather3A_11, %eq3A_47 : vector<16xi32>
      %jit3A_49 = arith.constant 5 : i32
      %broadcast_in_dim3A_50 = vector.broadcast %jit3A_49 : i32 to vector<16xi32>
      %select_n3A_51 = arith.select %eq3A_48, %broadcast_in_dim3A_50, %select_n3A_44 : vector<16xi1>, vector<16xi32>
      %slice3A_52 = vector.extract_strided_slice %gather3A_11 {offsets = [6], sizes = [1], strides = [1]} : vector<16xi32> to vector<1xi32>
      %squeeze3A_53 = vector.extract %slice3A_52[0] : i32 from vector<1xi32>
      %eq3A_54 = vector.broadcast %squeeze3A_53 : i32 to vector<16xi32>
      %eq3A_55 = arith.cmpi eq, %gather3A_11, %eq3A_54 : vector<16xi32>
      %jit3A_56 = arith.constant 6 : i32
      %broadcast_in_dim3A_57 = vector.broadcast %jit3A_56 : i32 to vector<16xi32>
      %select_n3A_58 = arith.select %eq3A_55, %broadcast_in_dim3A_57, %select_n3A_51 : vector<16xi1>, vector<16xi32>
      %slice3A_59 = vector.extract_strided_slice %gather3A_11 {offsets = [7], sizes = [1], strides = [1]} : vector<16xi32> to vector<1xi32>
      %squeeze3A_60 = vector.extract %slice3A_59[0] : i32 from vector<1xi32>
      %eq3A_61 = vector.broadcast %squeeze3A_60 : i32 to vector<16xi32>
      %eq3A_62 = arith.cmpi eq, %gather3A_11, %eq3A_61 : vector<16xi32>
      %jit3A_63 = arith.constant 7 : i32
      %broadcast_in_dim3A_64 = vector.broadcast %jit3A_63 : i32 to vector<16xi32>
      %select_n3A_65 = arith.select %eq3A_62, %broadcast_in_dim3A_64, %select_n3A_58 : vector<16xi1>, vector<16xi32>
      %gather3A_66 = tpu.vector_load_idx %arg9[%select_n3A_65] : memref<16xi32, #tpu.memory_space<vmem>>[vector<16xi32>], vector<16xi32>,
      %swap3A_67 = arith.constant 0 : index
      %swap3A_68 = tpu.vector_load %arg11[%swap3A_67] {strides = array<i32>} : memref<16xi32, #tpu.memory_space<vmem>>, vector<16xi32>,
      tpu.vector_store %arg11[%swap3A_67], %gather3A_66 {strides = array<i32>} : memref<16xi32, #tpu.memory_space<vmem>>, vector<16xi32>,
      %dma_start3A = tpu.memref_reshape %arg13 : memref<32x8x128xf32, #tpu.memory_space<vmem>> -> memref<16x2048xf32, #tpu.memory_space<vmem>>
      %dma_start3A_69 = arith.constant 0 : i32
      %dma_start3A_70 = arith.constant 0 : i32
      %dma_start3A_71 = tpu.memref_slice %arg2[%dma_start3A_69, %dma_start3A_70] : memref<8192x2048xf32, #tpu.memory_space<hbm>> -> memref<8192x2048xf32, #tpu.memory_space<hbm>>
      tpu.enqueue_indirect_dma source(%dma_start3A_71 : memref<8192x2048xf32, #tpu.memory_space<hbm>>) target(%dma_start3A : memref<16x2048xf32, #tpu.memory_space<vmem>>) offsets(%arg11 : memref<16xi32, #tpu.memory_space<vmem>>) semaphore(%arg14 : memref<!tpu.dma_semaphore, #tpu.memory_space<semaphore_mem>>)
      %dma_wait3A = tpu.memref_reshape %arg13 : memref<32x8x128xf32, #tpu.memory_space<vmem>> -> memref<16x2048xf32, #tpu.memory_space<vmem>>
      %dma_wait3A_72 = arith.constant 0 : i32
      %dma_wait3A_73 = arith.constant 0 : i32
      %dma_wait3A_74 = tpu.memref_slice %arg2[%dma_wait3A_72, %dma_wait3A_73] : memref<8192x2048xf32, #tpu.memory_space<hbm>> -> memref<8192x2048xf32, #tpu.memory_space<hbm>>
      tpu.wait_indirect_dma semaphore(%arg14 : memref<!tpu.dma_semaphore, #tpu.memory_space<semaphore_mem>>) src(%dma_wait3A_74 : memref<8192x2048xf32, #tpu.memory_space<hbm>>) dst(%dma_wait3A : memref<16x2048xf32, #tpu.memory_space<vmem>>)
      %shift_right_logical3A = arith.constant 1 : i32
      %shift_right_logical3A_75 = vector.broadcast %shift_right_logical3A : i32 to vector<16xi32>
      %shift_right_logical3A_76 = arith.shrui %iota3A, %shift_right_logical3A_75 : vector<16xi32>
      %gather3A_77 = tpu.vector_load_idx %arg10[%shift_right_logical3A_76] : memref<16xi32, #tpu.memory_space<vmem>>[vector<16xi32>], vector<16xi32>,
      %and3A_78 = arith.constant 1 : i32
      %and3A_79 = vector.broadcast %and3A_78 : i32 to vector<16xi32>
      %and3A_80 = arith.andi %iota3A, %and3A_79 : vector<16xi32>
      %mul3A = arith.constant 16384 : i32
      %mul3A_81 = vector.broadcast %mul3A : i32 to vector<16xi32>
      %mul3A_82 = arith.muli %mul3A_81, %and3A_80 : vector<16xi32>
      %add3A_83 = arith.addi %gather3A_77, %mul3A_82 : vector<16xi32>
      %swap3A_84 = arith.constant 0 : index
      %swap3A_85 = tpu.vector_load %arg12[%swap3A_84] {strides = array<i32>} : memref<16xi32, #tpu.memory_space<vmem>>, vector<16xi32>,
      tpu.vector_store %arg12[%swap3A_84], %add3A_83 {strides = array<i32>} : memref<16xi32, #tpu.memory_space<vmem>>, vector<16xi32>,
      "tpu.region"() ({
        %run_scoped3A = tpu.sem_alloc : memref<!tpu.dma_semaphore, #tpu.memory_space<semaphore_mem>>
        %dma_start3A_86 = arith.constant 0 : i32
        %dma_start3A_87 = arith.constant 0 : i32
        %dma_start3A_88 = arith.constant 0 : i32
        %dma_start3A_89 = tpu.memref_slice %arg13[%dma_start3A_86, %dma_start3A_87, %dma_start3A_88] : memref<32x8x128xf32, #tpu.memory_space<vmem>> -> memref<16x8x128xf32, #tpu.memory_space<vmem>>
        %dma_start3A_90 = arith.constant 0 : i32
        %dma_start3A_91 = arith.constant 0 : i32
        %dma_start3A_92 = arith.constant 0 : i32
        %dma_start3A_93 = tpu.memref_slice %arg13[%dma_start3A_90, %dma_start3A_91, %dma_start3A_92] : memref<32x8x128xf32, #tpu.memory_space<vmem>> -> memref<16x8x128xf32, #tpu.memory_space<vmem>>
        tpu.enqueue_dma source(%dma_start3A_93 : memref<16x8x128xf32, #tpu.memory_space<vmem>>) target(%arg5 : memref<16x8x128xf32, #tpu.memory_space<hbm>>) target_semaphore(%run_scoped3A : memref<!tpu.dma_semaphore, #tpu.memory_space<semaphore_mem>>)
        %dma_wait3A_94 = arith.constant 0 : i32
        %dma_wait3A_95 = arith.constant 0 : i32
        %dma_wait3A_96 = arith.constant 0 : i32
        %dma_wait3A_97 = tpu.memref_slice %arg13[%dma_wait3A_94, %dma_wait3A_95, %dma_wait3A_96] : memref<32x8x128xf32, #tpu.memory_space<vmem>> -> memref<16x8x128xf32, #tpu.memory_space<vmem>>
        %dma_wait3A_98 = arith.constant 0 : i32
        %dma_wait3A_99 = arith.constant 0 : i32
        %dma_wait3A_100 = arith.constant 0 : i32
        %dma_wait3A_101 = tpu.memref_slice %arg13[%dma_wait3A_98, %dma_wait3A_99, %dma_wait3A_100] : memref<32x8x128xf32, #tpu.memory_space<vmem>> -> memref<16x8x128xf32, #tpu.memory_space<vmem>>
        tpu.wait_dma2 semaphore(%run_scoped3A : memref<!tpu.dma_semaphore, #tpu.memory_space<semaphore_mem>>) src(%dma_wait3A_101 : memref<16x8x128xf32, #tpu.memory_space<vmem>>) dst(%arg5 : memref<16x8x128xf32, #tpu.memory_space<hbm>>)
        tpu.yield
      }) : () -> ()
      "tpu.region"() ({
        %run_scoped3A = tpu.sem_alloc : memref<!tpu.dma_semaphore, #tpu.memory_space<semaphore_mem>>
        tpu.enqueue_dma source(%arg12 : memref<16xi32, #tpu.memory_space<vmem>>) target(%arg6 : memref<16xi32, #tpu.memory_space<hbm>>) target_semaphore(%run_scoped3A : memref<!tpu.dma_semaphore, #tpu.memory_space<semaphore_mem>>)
        tpu.wait_dma2 semaphore(%run_scoped3A : memref<!tpu.dma_semaphore, #tpu.memory_space<semaphore_mem>>) src(%arg12 : memref<16xi32, #tpu.memory_space<vmem>>) dst(%arg6 : memref<16xi32, #tpu.memory_space<hbm>>)
        tpu.yield
      }) : () -> ()
    } else {
    }
    return
  }
}

module attributes {stable_mosaic.version = 14 : i64} {
  func.func @_copy_block(%arg0: i32, %arg1: memref<2048x8x128xf32, #tpu.memory_space<vmem>>, %arg2: memref<2048x8x128xf32, #tpu.memory_space<vmem>>) attributes {dimension_semantics = [#tpu.dimension_semantics<arbitrary>], iteration_bounds = array<i64: 16>, scalar_prefetch = 0 : i64, scratch_operands = 0 : i64, tpu.core_type = #tpu.core_type<tc>, window_params = [{transform_indices = @transform_0, window_bounds = array<i64: 2048, 8, 128>}, {transform_indices = @transform_1, window_bounds = array<i64: 2048, 8, 128>}]} {
    %get3A = arith.constant 0 : index
    %get3A_0 = arith.constant 0 : index
    %get3A_1 = arith.constant 0 : index
    %get3A_2 = vector.load %arg1[%get3A, %get3A_0, %get3A_1] : memref<2048x8x128xf32, #tpu.memory_space<vmem>>, vector<2048x8x128xf32>
    %swap3A = arith.constant 0 : index
    %swap3A_3 = arith.constant 0 : index
    %swap3A_4 = arith.constant 0 : index
    %swap3A_5 = vector.load %arg2[%swap3A, %swap3A_3, %swap3A_4] : memref<2048x8x128xf32, #tpu.memory_space<vmem>>, vector<2048x8x128xf32>
    tpu.vector_store %arg2[%swap3A, %swap3A_3, %swap3A_4], %get3A_2 {strides = array<i32>} : memref<2048x8x128xf32, #tpu.memory_space<vmem>>, vector<2048x8x128xf32>,
    return
  }
  func.func @transform_0(%arg0: i32) -> (i32, i32, i32) {
    %c0_i32 = arith.constant 0 : i32
    %c0_i32_0 = arith.constant 0 : i32
    %c0_i32_1 = arith.constant 0 : i32
    return %arg0, %c0_i32, %c0_i32_0 : i32, i32, i32
  }
  func.func @transform_1(%arg0: i32) -> (i32, i32, i32) {
    %c0_i32 = arith.constant 0 : i32
    %c0_i32_0 = arith.constant 0 : i32
    %c0_i32_1 = arith.constant 0 : i32
    return %arg0, %c0_i32, %c0_i32_0 : i32, i32, i32
  }
}

module attributes {stable_mosaic.version = 14 : i64} {
  func.func @_patch_body(%arg0: i32, %arg1: memref<16xi32, #tpu.memory_space<smem>>, %arg2: memref<16x8x128xf32, #tpu.memory_space<vmem>>, %arg3: memref<1x8x128xf32, #tpu.memory_space<vmem>>, %arg4: memref<1x8x128xf32, #tpu.memory_space<vmem>>) attributes {dimension_semantics = [#tpu.dimension_semantics<arbitrary>], iteration_bounds = array<i64: 16>, scalar_prefetch = 1 : i64, scratch_operands = 0 : i64, tpu.core_type = #tpu.core_type<tc>, window_params = [{pipeline_mode = #tpu.pipeline_mode<synchronous>, transform_indices = @transform_0, window_bounds = array<i64: 16, 8, 128>}, {transform_indices = @transform_1, window_bounds = array<i64: 1, 8, 128>}, {transform_indices = @transform_2, window_bounds = array<i64: 1, 8, 128>}]} {
    %get3A = arith.index_cast %arg0 : i32 to index
    %get3A_0 = arith.constant 0 : index
    %get3A_1 = arith.constant 0 : index
    %get3A_2 = vector.load %arg2[%get3A, %get3A_0, %get3A_1] : memref<16x8x128xf32, #tpu.memory_space<vmem>>, vector<1x8x128xf32>
    %swap3A = arith.constant 0 : index
    %swap3A_3 = arith.constant 0 : index
    %swap3A_4 = arith.constant 0 : index
    %swap3A_5 = vector.load %arg4[%swap3A, %swap3A_3, %swap3A_4] : memref<1x8x128xf32, #tpu.memory_space<vmem>>, vector<1x8x128xf32>
    tpu.vector_store %arg4[%swap3A, %swap3A_3, %swap3A_4], %get3A_2 {strides = array<i32>} : memref<1x8x128xf32, #tpu.memory_space<vmem>>, vector<1x8x128xf32>,
    return
  }
  func.func @transform_0(%arg0: i32, %arg1: memref<16xi32, #tpu.memory_space<smem>>) -> (i32, i32, i32) {
    %c0_i32 = arith.constant 0 : i32
    %c0_i32_0 = arith.constant 0 : i32
    %c0_i32_1 = arith.constant 0 : i32
    %c0_i32_2 = arith.constant 0 : i32
    return %c0_i32, %c0_i32_0, %c0_i32_1 : i32, i32, i32
  }
  func.func @transform_1(%arg0: i32, %arg1: memref<16xi32, #tpu.memory_space<smem>>) -> (i32, i32, i32) {
    %get3A = arith.index_cast %arg0 : i32 to index
    %get3A_0 = memref.load %arg1[%get3A] : memref<16xi32, #tpu.memory_space<smem>>
    %c0_i32 = arith.constant 0 : i32
    %c0_i32_1 = arith.constant 0 : i32
    %c0_i32_2 = arith.constant 0 : i32
    return %get3A_0, %c0_i32, %c0_i32_1 : i32, i32, i32
  }
  func.func @transform_2(%arg0: i32, %arg1: memref<16xi32, #tpu.memory_space<smem>>) -> (i32, i32, i32) {
    %get3A = arith.index_cast %arg0 : i32 to index
    %get3A_0 = memref.load %arg1[%get3A] : memref<16xi32, #tpu.memory_space<smem>>
    %c0_i32 = arith.constant 0 : i32
    %c0_i32_1 = arith.constant 0 : i32
    %c0_i32_2 = arith.constant 0 : i32
    return %get3A_0, %c0_i32, %c0_i32_1 : i32, i32, i32
  }
}

</mosaic_0001>

<sc_bundles>
// kernel: kernel.5.cloned.1.call-start
scs
__scs_entry_jumppad:
0x0: {  	(pc) =	sbr.rel $0x88, $3  }
0x1: {  	(tag) =	ssettag $0x0;
	lr =	simm.s32 $0x1  }
0x2: {  	[smem:$0x3F9D] =	sst lr;
	_ =	strace $0xD0000000  }
0x3: {  	_ = 	snop  }
0x4: {  	_ = 	snop  }
0x5: {  	_ = 	snop  }
0x6: {  	_ = 	snop  }
0x7: {  	_ = 	snop  }
__scs_overlays_trampoline_lowered:
0x8: {  	[smem:$0x3FAC] =	sst s0  }
0x9: {  	[smem:$0x3FAD] =	sst s1  }
0xa: {  	[smem:$0x3FAE] =	sst s2  }
0xb: {  	[smem:$0x3FAF] =	sst s3  }
0xc: {  	[smem:$0x3FB0] =	sst s4  }
0xd: {  	[smem:$0x3FB1] =	sst s5  }
0xe: {  	[smem:$0x3FB2] =	sst s6  }
0xf: {  	[smem:$0x3FB3] =	sst s7  }
0x10: {  	[smem:$0x3FB4] =	sst s8  }
0x11: {  	[smem:$0x3FB5] =	sst s9;
	s0 =	simm.s32 @!p0 $0x0  }
0x12: {  	s1 =	sld [smem:$0x3F9B];
	s0 =	simm.s32 @p0 $0x1  }
0x13: {  	[smem:$0x3FB6] =	sst s0;
	s0 =	simm.s32 @!p1 $0x0  }
0x14: {  	s2 =	sld [smem:$0x3F9A];
	s0 =	simm.s32 @p1 $0x1  }
0x15: {  	[smem:$0x3FB7] =	sst s0;
	s0 =	simm.s32 @!p2 $0x0  }
0x16: {  	s3 =	sld [smem:$0x3FDB];
	s0 =	simm.s32 @p2 $0x1  }
0x17: {  	s4 =	simm.s32 $0x1BF5;
	[smem:$0x3FB9] =	sst s0  }
0x18: {  	s0 =	sld [smem:$0x3F9C];
	_ =	swait.ge [sflag:s4], $0x0  }
0x19: {  	s7 =	sld [smem:$0x3F9D]  }
0x1a: {  	s8 =	sadd.s32 $0xFFFFE003, lr  }
0x1b: {  	s9 =	sadd.s32 $0xFFFFFEF7, lr;
	s5 =	simm.s32 $0xFFFFFFFF;
	p2 =	slt.u32 s8, $0xFFFFF086  }
0x1c: {  	p1 =	slt.u32 s9, $0xF7A;
	s5 =	simm.s32 @!p2 $0x0  }
0x1d: {  	s5 =	simm.s32 @p1 $0x1;
	p0 =	seq.s32 s7, s2  }
0x1e: {  	s7 =	smul.u32 @!p0 $0xF7A, s2;
	p2 =	seq.s32 @!p0 s5, $0x0  }
0x1f: {  	s9 =	smul.u32 $0xF7A, s1;
	s8 =	simm.s32 @!p0 $0x1BF5;
	p2 =	por !p2, p0  }
0x20: {  	[sflag:s8] =	ssyncset.s32 @!p0 $0xFFFFF086;
	s6 =	sadd.s32 @!p0 s3, s7;
	s7 =	simm.s32 @!p0 $0x108  }
0x21: {  	s3 =	sadd.s32 s3, s9;
	s6 =	sadd.s32 @!p0 $0x88, s6;
	s7 =	simm.s32 @p2 $0x1082  }
0x22: {  	[simem:s7], [sflag:s8] =	dma.local @!p0 [hbm:s6], $0xF7A  }
0x23: {  	s9 =	sor.u32 $0xD0000000, s2;
	s6 =	simm.s32 $0x108;
	_ =	swait.ge @!p0 [sflag:s8], $0x0  }
0x24: {  	s3 =	sadd.s32 $0x88, s3;
	s6 =	simm.s32 @!p1 $0x1082;
	[sflag:s4] =	ssyncset.s32 $0xFFFFF086  }
0x25: {  	[simem:s6], [sflag:s4] =	dma.local [hbm:s3], $0xF7A  }
0x26: {  	[smem:$0x3F9D] =	sst s1;
	(tag) =	ssettag s2;
	_ =	strace s9  }
0x27: {  	s1 =	sld [smem:$0x3FAD]  }
0x28: {  	s2 =	sld [smem:$0x3FAE]  }
0x29: {  	s4 =	sld [smem:$0x3FB0]  }
0x2a: {  	p0 =	seq.s32 s5, $0x0;
	s5 =	sld [smem:$0x3FB1]  }
0x2b: {  	s6 =	sld [smem:$0x3FB2]  }
0x2c: {  	s7 =	sld [smem:$0x3FB3]  }
0x2d: {  	s3 =	simm.s32 $0x108;
	s8 =	sld [smem:$0x3FB4]  }
0x2e: {  	s3 =	simm.s32 @!p0 $0x1082;
	s9 =	sld [smem:$0x3FB5]  }
0x2f: {  	lr =	sadd.s32 s0, s3;
	s0 =	sld [smem:$0x3FAC]  }
0x30: {  	s3 =	sld [smem:$0x3FAF]  }
0x31: {  	[smem:$0x3FB8] =	sst s10  }
0x32: {  	s10 =	sld [smem:$0x3FB6];
	_ =	sdelay $0x3  }
0x33: {  	p0 =	seq.s32 s10, $0x1;
	s10 =	sld [smem:$0x3FB8];
	_ =	sdelay $0x3  }
0x34: {  	[smem:$0x3FB8] =	sst s10  }
0x35: {  	s10 =	sld [smem:$0x3FB7];
	_ =	sdelay $0x3  }
0x36: {  	p1 =	seq.s32 s10, $0x1;
	s10 =	sld [smem:$0x3FB8];
	_ =	sdelay $0x3  }
0x37: {  	[smem:$0x3FB8] =	sst s10  }
0x38: {  	s10 =	sld [smem:$0x3FB9]  }
0x39: {  	_ = 	snop;
	(pc) =	sbr.ind lr, $3  }
0x3a: {  	_ = 	snop  }
0x3b: {  	_ = 	snop  }
0x3c: {  	p2 =	seq.s32 s10, $0x1;
	s10 =	sld [smem:$0x3FB8]  }
0x3d: {  	_ =	shalt  }
0x3e: {  	_ =	shalt  }
0x3f: {  	_ =	shalt  }
0x40: {  	_ =	shalt  }
0x41: {  	_ =	shalt  }
0x42: {  	_ =	shalt  }
0x43: {  	_ =	shalt  }
0x44: {  	_ =	shalt  }
0x45: {  	_ =	shalt  }
0x46: {  	_ =	shalt  }
0x47: {  	_ =	shalt  }
0x48: {  	_ =	shalt  }
0x49: {  	_ =	shalt  }
0x4a: {  	_ =	shalt  }
0x4b: {  	_ =	shalt  }
0x4c: {  	_ =	shalt  }
0x4d: {  	_ =	shalt  }
0x4e: {  	_ =	shalt  }
0x4f: {  	_ =	shalt  }
0x50: {  	_ =	shalt  }
0x51: {  	_ =	shalt  }
0x52: {  	_ =	shalt  }
0x53: {  	_ =	shalt  }
0x54: {  	_ =	shalt  }
0x55: {  	_ =	shalt  }
0x56: {  	_ =	shalt  }
0x57: {  	_ =	shalt  }
0x58: {  	_ =	shalt  }
0x59: {  	_ =	shalt  }
0x5a: {  	_ =	shalt  }
0x5b: {  	_ =	shalt  }
0x5c: {  	_ =	shalt  }
0x5d: {  	_ =	shalt  }
0x5e: {  	_ =	shalt  }
0x5f: {  	_ =	shalt  }
0x60: {  	_ =	shalt  }
0x61: {  	_ =	shalt  }
0x62: {  	_ =	shalt  }
0x63: {  	_ =	shalt  }
0x64: {  	_ =	shalt  }
0x65: {  	_ =	shalt  }
0x66: {  	_ =	shalt  }
0x67: {  	_ =	shalt  }
0x68: {  	_ =	shalt  }
0x69: {  	_ =	shalt  }
0x6a: {  	_ =	shalt  }
0x6b: {  	_ =	shalt  }
0x6c: {  	_ =	shalt  }
0x6d: {  	_ =	shalt  }
0x6e: {  	_ =	shalt  }
0x6f: {  	_ =	shalt  }
0x70: {  	_ =	shalt  }
0x71: {  	_ =	shalt  }
0x72: {  	_ =	shalt  }
0x73: {  	_ =	shalt  }
0x74: {  	_ =	shalt  }
0x75: {  	_ =	shalt  }
0x76: {  	_ =	shalt  }
0x77: {  	_ =	shalt  }
0x78: {  	_ =	shalt  }
0x79: {  	_ =	shalt  }
0x7a: {  	_ =	shalt  }
0x7b: {  	_ =	shalt  }
0x7c: {  	_ =	shalt  }
0x7d: {  	_ =	shalt  }
0x7e: {  	_ =	shalt  }
0x7f: {  	_ =	shalt  }
0x80: {  	_ =	shalt  }
0x81: {  	_ =	shalt  }
0x82: {  	_ =	shalt  }
0x83: {  	_ =	shalt  }
0x84: {  	_ =	shalt  }
0x85: {  	_ =	shalt  }
0x86: {  	_ =	shalt  }
0x87: {  	_ =	shalt  }
.Lfunc_end0:
.L_simem_size_0:
called_computation_lowered:
.L_overlay_start_0:
0x88: {  	s0 =	sld [smem:$0x3FD9]  }
0x89: {  	s1 =	sld [smem:$0x3FFE];
	_ =	sdelay $0x3  }
0x8a: {  	s0 =	sadd.s32 s1, s0  }
0x8b: {  	[smem:$0x3FC4] =	sst s0  }
0x8c: {  	_ = 	snop  }
0x8d: {  	s0 =	sld [smem:$0x3FD0];
	_ =	sdelay $0x1  }
0x8e: {  	s13 =	sld [smem:$0x3FC9]  }
0x8f: {  	s3 =	simm.s32 $0xA;
	s4 =	simm.s32 $0x10;
	s2 =	sld [smem:$0x3FC6]  }
0x90: {  	[smem:s4], [sflag:s3] =	dma.local [hbm:s0], $0x1  }
0x91: {  	_ =	swait.eq [sflag:s3], $0x1  }
0x92: {  	[sflag:s3] =	ssyncset.done $0x0  }
0x93: {  	[sflag:s3] =	ssyncadd.s32 $0xFFFFFFFF  }
0x94: {  	s14 =	sld [smem:$0x11];
	(tm) =	ssettm $0x1  }
0x95: {  	s15 =	sld [smem:$0x3FFB];
	_ =	sdelay $0x3  }
0x96: {  	_ =	strace s15  }
0x97: {  	s3 =	sld [smem:$0x3FFC];
	_ =	sdelay $0x3  }
0x98: {  	_ =	strace s3  }
0x99: {  	s3 =	sld [smem:$0x3FFD];
	_ =	sdelay $0x3  }
0x9a: {  	_ =	strace s3  }
0x9b: {  	_ =	strace $0x8FFFFFFF  }
0x9c: {  	s16 =	sld [smem:$0x3FDB];
	_ =	sdelay $0x1  }
0x9d: {  	s17 =	simm.s32 $_scs_section_size  }
0x9e: {  	s5 =	simm.s32 $_size__tile_overlayer_lowered;
	s6 =	simm.s32 $_tile_overlayer_lowered  }
0x9f: {  	s20 =	simm.s32 $0x1BFF;
	s19 =	sshll.u32 s6, $0x1;
	s3 =	sadd.s32 s17, s16  }
0xa0: {  	s7 =	simm.s32 $0x0;
	s18 =	sshll.u32 s5, $0x1;
	s5 =	sadd.s32 s19, s3  }
0xa1: {  	[timem:s7], [sflag:s20] =	dma.local [hbm:s5], s18  }
0xa2: {  	_ =	swait.ge [sflag:s20], s18  }
0xa3: {  	s4 =	ssub.s32 $0x0, s18;
	[sflag:s20] =	ssyncset.done $0x0  }
0xa4: {  	[sflag:s20] =	ssyncadd.s32 s4;
	_ =	sdelay $0x1  }
0xa5: {  	s21 =	simm.s32 $0x1B8B  }
0xa6: {  	_ =	swait.ge [sflag:s21], $0x1  }
0xa7: {  	[sflag:s21] =	ssyncset.done $0x0  }
0xa8: {  	s23 =	simm.s32 $0x1B8E;
	s22 =	sld [smem:$0x3FFE];
	[sflag:s21] =	ssyncadd.s32 $0xFFFFFFFF  }
0xa9: {  	s24 =	simm.s32 $execute0_lowered;
	[smem:$0x3FD2] =	sst s23  }
0xaa: {  	s5 =	sshll.u32 s24, $0x1;
	_ =	strace $0x80000046;
	[dreg:$0x1] =	wrdreg $0xFFFFFFFF  }
0xab: {  	s25 =	simm.s32 $_size_execute0_lowered;
	s3 =	sadd.s32 s3, s5;
	[dreg:$0x0] =	wrdreg $0x0  }
0xac: {  	s5 =	sshll.u32 s25, $0x1;
	[dreg:$0x2] =	wrdreg s3  }
0xad: {  	[dreg:$0x3] =	wrdreg s5  }
0xae: {  	[dreg:$0x4] =	wrdreg $0xC0  }
0xaf: {  	_ =	task [dreg:s7], $0x5FFFF  }
0xb0: {  	[dreg:$0x1] =	wrdreg $0xFFFFFFFF  }
0xb1: {  	[dreg:$0x0] =	wrdreg $0x60  }
0xb2: {  	[dreg:$0x2] =	wrdreg s13  }
0xb3: {  	[dreg:$0x3] =	wrdreg s22  }
0xb4: {  	[dreg:$0x4] =	wrdreg s2  }
0xb5: {  	[dreg:$0x5] =	wrdreg s14  }
0xb6: {  	[dreg:$0x6] =	wrdreg $0x9  }
0xb7: {  	_ =	task.clear_ibuf [dreg:s7], $0x7FFFF;
	_ =	strace $0x90000046  }
0xb8: {  	s26 =	simm.s32 $0x9;
	_ =	strace $0x80000048  }
0xb9: {  	_ =	swait.ge [sflag:s26], $0x1  }
0xba: {  	[sflag:s26] =	ssyncadd.s32 $0xFFFFFFFF  }
0xbb: {  	_ =	strace $0x90000048  }
0xbc: {  	_ =	sfence  }
0xbd: {  	s28 =	sld [smem:$0x0];
	_ =	sdelay $0x1  }
0xbe: {  	s29 =	srdreg.scid  }
0xbf: {  	s30 =	sshll.u32 s29, $0xD;
	s31 =	sshrl.u32 s29, $0x2  }
0xc0: {  	s1 =	sand.u32 $0x1, s29;
	s2 =	sand.u32 $0x4000, s30;
	s0 =	sadd.s32 s31, s28  }
0xc1: {  	s1 =	sor.u32 s2, s1;
	s0 =	sshll.u32 s0, $0x11  }
0xc2: {  	s0 =	sor.u32 s0, s1  }
0xc3: {  	s0 =	sadd.s32 $0x8F2B, s0  }
0xc4: {  	[sflag:s0] =	ssyncadd.remote.s32 $0x1  }
0xc5: {  	_ =	sfence.sel $0xFFFF  }
0xc6: {  	[dreg:$0x0] =	wrdreg $0xFFFFFFFF;
	(pc) =	sbr.abs _section_cstart, $3  }
0xc7: {  	[dreg:$0x1] =	wrdreg $0xFFFFFFFF  }
0xc8: {  	_ =	task.clear_ibuf [dreg:s7], $0x2FFFF;
	_ =	strace $0x9FFFFFFF  }
0xc9: {  	(tm) =	ssettm $0x7FFFFFFF  }
tec
execute0_lowered:
.L_overlay_start_1:
0x0: {  	(tag) =	ssettag $0x1  }
0x1: {  	s5 =	rddreg [dreg:$0x0]  }
0x2: {  	s1 =	rddreg [dreg:$0x1]  }
0x3: {  	s6 =	rddreg [dreg:$0x2]  }
0x4: {  	s2 =	rddreg [dreg:$0x3];
	s3 =	stileid.u32  }
0x5: {  	s0 =	rddreg [dreg:$0x4];
	_ =	strace $0x80000047;
	p0 =	sne.s32 s3, $0x0  }
0x6: {  	_ =	sfence.sel @p0 $0x180000  }
0x7: {  	[bflag:$0x0] =	sbarrier.arrive @p0 $0xFFFF  }
0x8: {  	_ =	strace @p0 $0x90000047  }
0x9: {  	[bflag:$0x2] =	sbarrier.arrive @p0 $0xFFFF  }
0xa: {  	_ =	shalt @p0  }
.LBB2_1:
0xb: {  	s3 =	sadd.s32 $0xC00, s1;
	s4 =	simm.s32 $0x0;
	s9 =	simm.s32 $0x2  }
0xc: {  	[tilespmem:s4], [sflag:$0x2] =	stream.linear.gather [hbm4b:s3+s4], $0x80, $0x38;
	[tilespmem:$0xA280] =	vst v63  }
0xd: {  	v0 =	vlaneseq.u32;
	_ =	swait.ge [sflag:s9], $0x80  }
0xe: {  	v1 =	vand.u32 $0x7, v0;
	[sflag:s9] =	ssyncset.done $0x0  }
0xf: {  	s7 =	simm.s32 $0x80;
	v2 =	vadd.s32 $0x1, v1;
	[sflag:s9] =	ssyncadd.s32 $0xFFFFFF80  }
0x10: {  	[tilespmem:s7], [sflag:$0x2] =	stream.linear.gather [hbm4b:s6+s4], $0x2000, $0x38;
	[tilespmem:$0xA280] =	vst v63  }
0x11: {  	_ =	swait.ge [sflag:s9], $0x2000  }
0x12: {  	[sflag:s9] =	ssyncset.done $0x0  }
0x13: {  	[sflag:s9] =	ssyncadd.s32 $0xFFFFE000  }
0x14: {  	v2 =	vld.idx.msk [tilespmem:v2+s4+$0x0], $0xffff;
	_ =	sdelay $0x4  }
0x15: {  	v2 =	vadd.s32 $0xFFFFFFFF, v2;
	_ =	sdelay $0x4  }
0x16: {  	v3 =	vld.idx.msk [tilespmem:v2+s7+$0x0], $0xffff;
	_ =	sdelay $0x4  }
0x17: {  	v4 =	vbroadcast v3, $0x0  }
0x18: {  	v5 =	vbroadcast v3, $0x1  }
0x19: {  	v30 =	vbroadcast v3, $0x2;
	vm0 =	veq.s32 v3, v4  }
0x1a: {  	v31 =	vbroadcast v3, $0x3;
	vm8 =	veq.s32 v3, v5;
	v1 =	vsel vm0, $0x0, v1  }
0x1b: {  	v32 =	vbroadcast v3, $0x4;
	vm9 =	veq.s32 v3, v30;
	v1 =	vsel vm8, $0x1, v1  }
0x1c: {  	v33 =	vbroadcast v3, $0x5;
	vm10 =	veq.s32 v3, v31;
	v1 =	vsel vm9, $0x2, v1  }
0x1d: {  	v34 =	vbroadcast v3, $0x6;
	vm11 =	veq.s32 v3, v32;
	v1 =	vsel vm10, $0x3, v1  }
0x1e: {  	v35 =	vbroadcast v3, $0x7;
	vm12 =	veq.s32 v3, v33;
	v1 =	vsel vm11, $0x4, v1  }
0x1f: {  	vm13 =	veq.s32 v3, v34;
	v1 =	vsel vm12, $0x5, v1  }
0x20: {  	vm14 =	veq.s32 v3, v35;
	v1 =	vsel vm13, $0x6, v1  }
0x21: {  	v1 =	vsel vm14, $0x7, v1;
	_ =	sdelay $0x2  }
0x22: {  	[tilespmem:$0x2080] =	vst v2  }
0x23: {  	s10 =	simm.s32 $0x2080;
	[tilespmem:$0x2100] =	vst v3  }
0x24: {  	v1 =	vld.idx.msk [tilespmem:v1+s10+$0x0], $0xffff;
	_ =	sdelay $0x4  }
0x25: {  	v36 =	vshll.u32 v1, $0x4  }
0x26: {  	v37 =	vand.u32 $0x7, v1;
	v2 =	vand.u32 $0xFFFFFF80, v36  }
0x27: {  	v38 =	vimm.s32 $0x0;
	v2 =	vor.u32 v37, v2  }
0x28: {  	v39 =	vmul.u32 $0x8, v0;
	v3 =	vperm.xlane v2, v38  }
0x29: {  	v40 =	vimm.s32 $0x1  }
0x2a: {  	v5 =	vperm.xlane v2, v40;
	v3 =	vadd.s32 v39, v3  }
0x2b: {  	v6 =	vimm.s32 $0x2  }
0x2c: {  	v6 =	vperm.xlane v2, v6;
	v5 =	vadd.s32 v39, v5  }
0x2d: {  	v7 =	vimm.s32 $0x3  }
0x2e: {  	vm15 =	vmmov $0xffff;
	s11 =	simm.s32 $0x2280;
	[tilespmem:$0x2180] =	vst v1;
	v42 =	vperm.xlane v2, v7;
	v41 =	vadd.s32 v39, v6  }
0x2f: {  	v43 =	vimm.s32 $0x4;
	[tilespmem:s11], [sflag:$0x1] =	stream.indirect_vreg.gather [hbm4b:s5+s4], $0x80, v3, vm15, $0xb8;
	[tilespmem:$0xA280] =	vst v63  }
0x30: {  	s12 =	simm.s32 $0x2A80;
	v45 =	vperm.xlane v2, v43;
	v44 =	vadd.s32 v39, v42  }
0x31: {  	v46 =	vimm.s32 $0x5;
	[tilespmem:s12], [sflag:$0x1] =	stream.indirect_vreg.gather [hbm4b:s5+s4], $0x80, v5, vm15, $0xb8;
	[tilespmem:$0xA280] =	vst v63  }
0x32: {  	s13 =	simm.s32 $0x3280;
	v48 =	vperm.xlane v2, v46;
	v47 =	vadd.s32 v39, v45  }
0x33: {  	v49 =	vimm.s32 $0x6;
	[tilespmem:s13], [sflag:$0x1] =	stream.indirect_vreg.gather [hbm4b:s5+s4], $0x80, v41, vm15, $0xb8;
	[tilespmem:$0xA280] =	vst v63  }
0x34: {  	s14 =	simm.s32 $0x3A80;
	v51 =	vperm.xlane v2, v49;
	v50 =	vadd.s32 v39, v48  }
0x35: {  	v52 =	vimm.s32 $0x7;
	[tilespmem:s14], [sflag:$0x1] =	stream.indirect_vreg.gather [hbm4b:s5+s4], $0x80, v44, vm15, $0xb8;
	[tilespmem:$0xA280] =	vst v63  }
0x36: {  	s15 =	simm.s32 $0x4280;
	v54 =	vperm.xlane v2, v52;
	v53 =	vadd.s32 v39, v51  }
0x37: {  	v55 =	vimm.s32 $0x8;
	[tilespmem:s15], [sflag:$0x1] =	stream.indirect_vreg.gather [hbm4b:s5+s4], $0x80, v47, vm15, $0xb8;
	[tilespmem:$0xA280] =	vst v63  }
0x38: {  	s16 =	simm.s32 $0x4A80;
	v6 =	vadd.s32 v39, v54;
	v5 =	vperm.xlane v2, v55  }
0x39: {  	v56 =	vimm.s32 $0x9;
	[tilespmem:s16], [sflag:$0x1] =	stream.indirect_vreg.gather [hbm4b:s5+s4], $0x80, v50, vm15, $0xb8;
	[tilespmem:$0xA280] =	vst v63  }
0x3a: {  	s17 =	simm.s32 $0x5280;
	v1 =	vperm.xlane v2, v56;
	v5 =	vadd.s32 v39, v5  }
0x3b: {  	v57 =	vimm.s32 $0xA;
	[tilespmem:s17], [sflag:$0x1] =	stream.indirect_vreg.gather [hbm4b:s5+s4], $0x80, v53, vm15, $0xb8;
	[tilespmem:$0xA280] =	vst v63  }
0x3c: {  	s18 =	simm.s32 $0x5A80;
	v1 =	vadd.s32 v39, v1;
	v3 =	vperm.xlane v2, v57  }
0x3d: {  	v58 =	vimm.s32 $0xB;
	[tilespmem:s18], [sflag:$0x1] =	stream.indirect_vreg.gather [hbm4b:s5+s4], $0x80, v6, vm15, $0xb8;
	[tilespmem:$0xA280] =	vst v63  }
0x3e: {  	s19 =	simm.s32 $0x6280;
	v3 =	vadd.s32 v39, v3;
	v6 =	vperm.xlane v2, v58  }
0x3f: {  	v59 =	vimm.s32 $0xC;
	[tilespmem:s19], [sflag:$0x1] =	stream.indirect_vreg.gather [hbm4b:s5+s4], $0x80, v5, vm15, $0xb8;
	[tilespmem:$0xA280] =	vst v63  }
0x40: {  	s20 =	simm.s32 $0x6A80;
	v6 =	vadd.s32 v39, v6;
	v5 =	vperm.xlane v2, v59  }
0x41: {  	v60 =	vimm.s32 $0xD;
	[tilespmem:s20], [sflag:$0x1] =	stream.indirect_vreg.gather [hbm4b:s5+s4], $0x80, v1, vm15, $0xb8;
	[tilespmem:$0xA280] =	vst v63  }
0x42: {  	s21 =	simm.s32 $0x7280;
	v5 =	vadd.s32 v39, v5;
	v1 =	vperm.xlane v2, v60  }
0x43: {  	v61 =	vimm.s32 $0xE;
	[tilespmem:s21], [sflag:$0x1] =	stream.indirect_vreg.gather [hbm4b:s5+s4], $0x80, v3, vm15, $0xb8;
	[tilespmem:$0xA280] =	vst v63  }
0x44: {  	s22 =	simm.s32 $0x7A80;
	v1 =	vadd.s32 v39, v1;
	v3 =	vperm.xlane v2, v61  }
0x45: {  	v62 =	vimm.s32 $0xF;
	[tilespmem:s22], [sflag:$0x1] =	stream.indirect_vreg.gather [hbm4b:s5+s4], $0x80, v6, vm15, $0xb8;
	[tilespmem:$0xA280] =	vst v63  }
0x46: {  	s23 =	simm.s32 $0x8280;
	v2 =	vperm.xlane v2, v62;
	v3 =	vadd.s32 v39, v3  }
0x47: {  	[tilespmem:s23], [sflag:$0x1] =	stream.indirect_vreg.gather [hbm4b:s5+s4], $0x80, v5, vm15, $0xb8;
	[tilespmem:$0xA280] =	vst v63  }
0x48: {  	s24 =	simm.s32 $0x8A80;
	v2 =	vadd.s32 v39, v2  }
0x49: {  	[tilespmem:s24], [sflag:$0x1] =	stream.indirect_vreg.gather [hbm4b:s5+s4], $0x80, v1, vm15, $0xb8;
	[tilespmem:$0xA280] =	vst v63  }
0x4a: {  	s25 =	simm.s32 $0x9280  }
0x4b: {  	[tilespmem:s25], [sflag:$0x1] =	stream.indirect_vreg.gather [hbm4b:s5+s4], $0x80, v3, vm15, $0xb8;
	[tilespmem:$0xA280] =	vst v63  }
0x4c: {  	s26 =	simm.s32 $0x9A80;
	s28 =	simm.s32 $0x1;
	v63 =	vshrl.u32 v0, $0x1  }
0x4d: {  	[tilespmem:s26], [sflag:$0x1] =	stream.indirect_vreg.gather [hbm4b:s5+s4], $0x80, v2, vm15, $0xb8;
	[tilespmem:$0xA280] =	vst v63  }
0x4e: {  	_ =	swait.ge [sflag:s28], $0x8000  }
0x4f: {  	[sflag:s28] =	ssyncset.done $0x0  }
0x50: {  	s29 =	simm.s32 $0x2100;
	[sflag:s28] =	ssyncadd.s32 $0xFFFF8000  }
0x51: {  	v1 =	vld.idx.msk [tilespmem:v63+s29+$0x0], $0xffff;
	_ =	sdelay $0x1  }
0x52: {  	v0 =	vand.u32 $0x1, v0  }
0x53: {  	v0 =	vmul.u32 $0x4000, v0;
	_ =	sdelay $0x1  }
0x54: {  	v0 =	vadd.s32 v0, v1  }
0x55: {  	[tilespmem:$0x2200] =	vst v0  }
0x56: {  	[hbm4b:s2+s4] =	stream.linear.scatter [tilespmem:s11], [sflag:$0x2], $0x4000, $0x38;
	[tilespmem:$0xA280] =	vst v63  }
0x57: {  	_ =	swait.ge [sflag:s9], $0x4000  }
0x58: {  	[sflag:s9] =	ssyncset.done $0x0  }
0x59: {  	s30 =	sadd.s32 $0xE00, s1;
	s31 =	simm.s32 $0x2200;
	[sflag:s9] =	ssyncadd.s32 $0xFFFFC000  }
0x5a: {  	[hbm4b:s30+s4] =	stream.linear.scatter [tilespmem:s31], [sflag:$0x2], $0x80, $0x38;
	[tilespmem:$0xA280] =	vst v63  }
0x5b: {  	_ =	swait.ge [sflag:s9], $0x80  }
0x5c: {  	[sflag:s9] =	ssyncset.done $0x0  }
0x5d: {  	[sflag:s9] =	ssyncadd.s32 $0xFFFFFF80  }
0x5e: {  	_ =	sfence.sel $0x180000  }
0x5f: {  	[bflag:$0x0] =	sbarrier.arrive $0xFFFF  }
0x60: {  	_ =	strace $0x90000047  }
0x61: {  	s0 =	sadd.s32 $0x100000, s0;
	[bflag:$0x2] =	sbarrier.arrive $0xFFFF  }
0x62: {  	[sflag:s0] =	ssyncadd.tile.s32 $0x1;
	_ =	shalt  }
.Lfunc_end2:
_tile_overlayer_lowered:
.L_overlay_start_2:
0x63: {  	(tag) =	ssettag $0x2  }
0x64: {  	s0 =	rddreg [dreg:$0x0];
	s2 =	stileid.u32  }
0x65: {  	s1 =	rddreg [dreg:$0x1];
	p0 =	sne.s32 s2, $0x0  }
0x66: {  	s3 =	rddreg [dreg:$0x2];
	[bflag:$0x3] =	sbarrier.arrive $0xFFFF;
	s2 =	simm.s32 @!p0 $0x1C02  }
0x67: {  	[timem:s3], [sflag:s2] =	dma.local @!p0 [hbm:s0], s1  }
0x68: {  	s0 =	simm.s32 @!p0 $0x2  }
0x69: {  	_ =	swait.ge @!p0 [sflag:s0], s1  }
0x6a: {  	s1 =	ssub.s32 @!p0 $0x0, s1;
	[sflag:s0] =	ssyncset.done @!p0 $0x0  }
0x6b: {  	[sflag:s0] =	ssyncadd.s32 @!p0 s1  }
0x6c: {  	[bflag:$0x3] =	sbarrier.arrive $0xFFFF  }
0x6d: {  	_ =	shalt  }

</sc_bundles>
